<compile_context>
chip_gen: v7x
topology: tpu7x:2x2x1
jax: 0.10.2.dev20260603
libtpu: 0.0.44.dev20260713+nightly
codegen_flags: <defaults>
</compile_context>

<pallas_src>
import functools

import jax
import jax.numpy as jnp
from jax import lax
from jax.experimental import pallas as pl
from jax.experimental.pallas import tpu as pltpu
from jax.experimental.pallas import tpu_sc as plsc

_NBUF = 8


def kernel(ids, E_target, E_context):
    B = ids.shape[0]
    V, D = E_target.shape
    G = D // 8
    info = plsc.get_sparse_core_info()
    NC, NS = info.num_cores, info.num_subcores
    NW = NC * NS
    per_w = B // NW

    tt = E_target.T
    ct = E_context.T
    ids32 = ids.astype(jnp.int32)
    mesh = plsc.VectorSubcoreMesh(core_axis_name="c", subcore_axis_name="s")

    @functools.partial(
        pl.kernel,
        mesh=mesh,
        out_type=jax.ShapeDtypeStruct((2 * D, B), jnp.float32),
        compiler_params=pltpu.CompilerParams(needs_layout_passes=False),
        scratch_types=[
            pltpu.VMEM((per_w + 16,), jnp.int32),
            pltpu.VMEM((_NBUF, 2, D, 128), jnp.float32),
            pltpu.VMEM((2 * D, per_w), jnp.float32),
            pltpu.SemaphoreType.DMA((_NBUF,)),
            pltpu.SemaphoreType.DMA,
        ],
    )
    def _k(ids_hbm, tt_hbm, ct_hbm, out_hbm, idsv, tb, blk, gsem, wsem):
        wid = lax.axis_index("s") * NC + lax.axis_index("c")
        base = wid * per_w
        pltpu.sync_copy(ids_hbm.at[pl.ds(base, per_w)],
                        idsv.at[pl.ds(0, per_w)])
        lane16 = lax.iota(jnp.int32, 16)
        zeros16 = lane16 * 0

        def col_of(i):
            s = idsv[pl.ds(i, 16)][0]
            k0 = pl.multiple_of((s >> 7) << 7, 128)
            return k0, s - k0

        def fire(i):
            slot = lax.rem(i, _NBUF)
            k0, _ = col_of(i)
            cols = pl.ds(k0, 128)
            pltpu.async_copy(tt_hbm.at[:, cols], tb.at[slot, 0], gsem.at[slot])
            pltpu.async_copy(ct_hbm.at[:, cols], tb.at[slot, 1], gsem.at[slot])

        def extract(i):
            slot = lax.rem(i, _NBUF)
            _, l = col_of(i)
            for t in range(2):
                pltpu.make_async_copy(
                    tt_hbm.at[pl.ds(0, D), pl.ds(0, 128)],
                    tb.at[slot, 0], gsem.at[slot]).wait()
            lvec = zeros16 + l
            ivec = zeros16 + i
            for t in range(2):
                tsel = zeros16 + t
                for h in range(D // 16):
                    cvec = lane16 + h * 16
                    v = plsc.load_gather(tb, [zeros16 + slot, tsel, cvec,
                                              lvec])
                    plsc.store_scatter(
                        blk, [lane16 + (t * D + h * 16), ivec], v)

        def main_body(i, _):
            fire(i)

            @pl.when(i >= _NBUF - 1)
            def _():
                extract(i - (_NBUF - 1))

            return 0

        lax.fori_loop(0, per_w, main_body, 0)

        def tail_body(i, _):
            extract(i)
            return 0

        lax.fori_loop(per_w - (_NBUF - 1), per_w, tail_body, 0)
        pltpu.sync_copy(blk, out_hbm.at[pl.ds(0, 2 * D), pl.ds(base, per_w)])

    return _k(ids32, tt, ct).T

# --- scband reference (transcript-rebuilt; emitter-appended) ---
"""Pipeline reference for scband-embedding-store-28776280883566 (READ-ONLY COPY).

The authoritative reference and input builder live on the scoring server;
editing this copy changes nothing except your own understanding.
"""

import jax, jax.numpy as jnp
import numpy as np

NUM_NODES = 1000000
D_EMB = 32
BATCH = 16384

def _xavier_uniform(key, shape):
    fan_in, fan_out = shape[0], shape[1]
    limit = float(np.sqrt(6.0 / (fan_in + fan_out)))
    return jax.random.uniform(key, shape, dtype=jnp.float32, minval=-limit, maxval=limit)

def setup_inputs(seed: int = 0) -> dict:
    key = jax.random.key(seed)
    k_ids, k_t, k_c = jax.random.split(key, 3)
    ids = jax.random.randint(k_ids, (BATCH,), 0, NUM_NODES, dtype=jnp.int64 if jax.config.jax_enable_x64 else jnp.int32)
    E_target = _xavier_uniform(k_t, (NUM_NODES, D_EMB))
    E_context = _xavier_uniform(k_c, (NUM_NODES, D_EMB))
    return {"ids": ids, "E_target": E_target, "E_context": E_context}

def reference(ids, E_target, E_context):
    # EmbeddingStore.target(ids) and .context(ids): [K] -> [K, d_emb] each.
    # Returned concatenated along last axis: [K, 2*d_emb].
    tgt = jnp.take(E_target, ids, axis=0)
    ctx = jnp.take(E_context, ids, axis=0)
    return jnp.concatenate([tgt, ctx], axis=-1)

if __name__ == "__main__":
    import jax
    _d = setup_inputs()
    print(jax.jit(kernel)(*tuple(_d.values())))

</pallas_src>

<mosaic_0001>
#map = affine_map<(d0, d1) -> (0)>
#map1 = affine_map<(d0, d1) -> (0, 0)>
module attributes {stable_mosaic.version = 14 : i64} {
  func.func @_k(%arg0: i32, %arg1: i32, %arg2: memref<16384xi32, #tpu.memory_space<hbm>>, %arg3: memref<32x1000000xf32, #tpu.memory_space<hbm>>, %arg4: memref<32x1000000xf32, #tpu.memory_space<hbm>>, %arg5: memref<64x16384xf32, #tpu.memory_space<hbm>>, %arg6: memref<528xi32, #tpu.memory_space<vmem>>, %arg7: memref<8x2x32x128xf32, #tpu.memory_space<vmem>>, %arg8: memref<64x512xf32, #tpu.memory_space<vmem>>, %arg9: memref<8x!tpu.dma_semaphore, #tpu.memory_space<semaphore_mem>>, %arg10: memref<!tpu.dma_semaphore, #tpu.memory_space<semaphore_mem>>) attributes {dimension_semantics = [#tpu.dimension_semantics<core_parallel>, #tpu.dimension_semantics<subcore_parallel>], iteration_bounds = array<i64: 2, 16>, scalar_prefetch = 0 : i64, scratch_operands = 5 : i64, tpu.core_type = #tpu.core_type<sc_vector_subcore>, window_params = [{transform_indices = #map}, {transform_indices = #map1}, {transform_indices = #map1}, {transform_indices = #map1}]} {
    %mul3A = arith.constant 2 : i32
    %mul3A_0 = arith.muli %arg1, %mul3A : i32
    %add3A = arith.addi %mul3A_0, %arg0 : i32
    %mul3A_1 = arith.constant 512 : i32
    %mul3A_2 = arith.muli %add3A, %mul3A_1 : i32
    "tpu.region"() ({
      %run_scoped3A = tpu.sem_alloc : memref<!tpu.dma_semaphore, #tpu.memory_space<semaphore_mem>>
      %dma_start3A = arith.constant 0 : i32
      %dma_start3A_19 = tpu.memref_slice %arg6[%dma_start3A] : memref<528xi32, #tpu.memory_space<vmem>> -> memref<512xi32, #tpu.memory_space<vmem>>
      %dma_start3A_20 = tpu.memref_slice %arg2[%mul3A_2] : memref<16384xi32, #tpu.memory_space<hbm>> -> memref<512xi32, #tpu.memory_space<hbm>>
      %dma_start3A_21 = arith.constant 0 : i32
      %dma_start3A_22 = tpu.memref_slice %arg6[%dma_start3A_21] : memref<528xi32, #tpu.memory_space<vmem>> -> memref<512xi32, #tpu.memory_space<vmem>>
      %dma_start3A_23 = tpu.memref_slice %arg2[%mul3A_2] : memref<16384xi32, #tpu.memory_space<hbm>> -> memref<512xi32, #tpu.memory_space<hbm>>
      tpu.enqueue_dma source(%dma_start3A_23 : memref<512xi32, #tpu.memory_space<hbm>>) target(%dma_start3A_22 : memref<512xi32, #tpu.memory_space<vmem>>) target_semaphore(%run_scoped3A : memref<!tpu.dma_semaphore, #tpu.memory_space<semaphore_mem>>)
      %dma_wait3A = arith.constant 0 : i32
      %dma_wait3A_24 = tpu.memref_slice %arg6[%dma_wait3A] : memref<528xi32, #tpu.memory_space<vmem>> -> memref<512xi32, #tpu.memory_space<vmem>>
      %dma_wait3A_25 = tpu.memref_slice %arg2[%mul3A_2] : memref<16384xi32, #tpu.memory_space<hbm>> -> memref<512xi32, #tpu.memory_space<hbm>>
      %dma_wait3A_26 = arith.constant 0 : i32
      %dma_wait3A_27 = tpu.memref_slice %arg6[%dma_wait3A_26] : memref<528xi32, #tpu.memory_space<vmem>> -> memref<512xi32, #tpu.memory_space<vmem>>
      %dma_wait3A_28 = tpu.memref_slice %arg2[%mul3A_2] : memref<16384xi32, #tpu.memory_space<hbm>> -> memref<512xi32, #tpu.memory_space<hbm>>
      tpu.wait_dma2 semaphore(%run_scoped3A : memref<!tpu.dma_semaphore, #tpu.memory_space<semaphore_mem>>) src(%dma_wait3A_28 : memref<512xi32, #tpu.memory_space<hbm>>) dst(%dma_wait3A_27 : memref<512xi32, #tpu.memory_space<vmem>>)
      tpu.yield
    }) : () -> ()
    %iota3A = tpu.iota {dimensions = array<i32: 0>} : vector<16xi32>
    %mul3A_3 = arith.constant 0 : i32
    %mul3A_4 = vector.broadcast %mul3A_3 : i32 to vector<16xi32>
    %mul3A_5 = arith.muli %iota3A, %mul3A_4 : vector<16xi32>
    %scan3A = arith.constant 0 : i32
    %scan3A_6 = arith.constant 0 : i32
    %scan3A_7 = arith.constant 512 : i32
    %scan3A_8 = arith.addi %scan3A_6, %scan3A_7 : i32
    %scan3A_9 = arith.constant 1 : i32
    %scan3A_10 = scf.for %scan3A_19 = %scan3A_6 to %scan3A_8 step %scan3A_9 iter_args(%scan3A_20 = %scan3A) -> (i32)  : i32 {
      %rem3A = arith.constant 8 : i32
      %rem3A_21 = arith.remsi %scan3A_19, %rem3A : i32
      %get3A = arith.index_cast %scan3A_19 : i32 to index
      %get3A_22 = tpu.vector_load %arg6[%get3A] {strides = array<i32>} : memref<528xi32, #tpu.memory_space<vmem>>, vector<16xi32>,
      %slice3A = vector.extract_strided_slice %get3A_22 {offsets = [0], sizes = [1], strides = [1]} : vector<16xi32> to vector<1xi32>
      %squeeze3A = vector.extract %slice3A[0] : i32 from vector<1xi32>
      %shift_right_arithmetic3A = arith.constant 7 : i32
      %shift_right_arithmetic3A_23 = arith.shrsi %squeeze3A, %shift_right_arithmetic3A : i32
      %shift_left3A = arith.constant 7 : i32
      %shift_left3A_24 = arith.shli %shift_right_arithmetic3A_23, %shift_left3A : i32
      %multiple_of3A = tpu.assume_multiple %shift_left3A_24, 128 : i32
      %sub3A = arith.subi %squeeze3A, %multiple_of3A : i32
      %dma_start3A = arith.constant 0 : i32
      %dma_start3A_25 = arith.constant 0 : i32
      %dma_start3A_26 = arith.constant 0 : i32
      %dma_start3A_27 = tpu.memref_slice %arg7[%rem3A_21, %dma_start3A, %dma_start3A_25, %dma_start3A_26] : memref<8x2x32x128xf32, #tpu.memory_space<vmem>> -> memref<1x1x32x128xf32, #tpu.memory_space<vmem>>
      %dma_start3A_28 = tpu.memref_squeeze %dma_start3A_27 : memref<1x1x32x128xf32, #tpu.memory_space<vmem>> -> memref<32x128xf32, #tpu.memory_space<vmem>>
      %dma_start3A_29 = arith.constant 0 : i32
      %dma_start3A_30 = tpu.memref_slice %arg3[%dma_start3A_29, %multiple_of3A] : memref<32x1000000xf32, #tpu.memory_space<hbm>> -> memref<32x128xf32, #tpu.memory_space<hbm>>
      %dma_start3A_31 = tpu.memref_slice %arg9[%rem3A_21] : memref<8x!tpu.dma_semaphore, #tpu.memory_space<semaphore_mem>> -> memref<1x!tpu.dma_semaphore, #tpu.memory_space<semaphore_mem>>
      %dma_start3A_32 = tpu.memref_squeeze %dma_start3A_31 : memref<1x!tpu.dma_semaphore, #tpu.memory_space<semaphore_mem>> -> memref<!tpu.dma_semaphore, #tpu.memory_space<semaphore_mem>>
      %dma_start3A_33 = arith.constant 0 : i32
      %dma_start3A_34 = arith.constant 0 : i32
      %dma_start3A_35 = tpu.memref_slice %arg7[%rem3A_21, %dma_start3A, %dma_start3A_33, %dma_start3A_34] : memref<8x2x32x128xf32, #tpu.memory_space<vmem>> -> memref<1x1x32x128xf32, #tpu.memory_space<vmem>>
      %dma_start3A_36 = tpu.memref_squeeze %dma_start3A_35 : memref<1x1x32x128xf32, #tpu.memory_space<vmem>> -> memref<32x128xf32, #tpu.memory_space<vmem>>
      %dma_start3A_37 = arith.constant 0 : i32
      %dma_start3A_38 = tpu.memref_slice %arg3[%dma_start3A_37, %multiple_of3A] : memref<32x1000000xf32, #tpu.memory_space<hbm>> -> memref<32x128xf32, #tpu.memory_space<hbm>>
      tpu.enqueue_dma source(%dma_start3A_38 : memref<32x128xf32, #tpu.memory_space<hbm>>) target(%dma_start3A_36 : memref<32x128xf32, #tpu.memory_space<vmem>>) target_semaphore(%dma_start3A_32 : memref<!tpu.dma_semaphore, #tpu.memory_space<semaphore_mem>>)
      %dma_start3A_39 = arith.constant 1 : i32
      %dma_start3A_40 = arith.constant 0 : i32
      %dma_start3A_41 = arith.constant 0 : i32
      %dma_start3A_42 = tpu.memref_slice %arg7[%rem3A_21, %dma_start3A_39, %dma_start3A_40, %dma_start3A_41] : memref<8x2x32x128xf32, #tpu.memory_space<vmem>> -> memref<1x1x32x128xf32, #tpu.memory_space<vmem>>
      %dma_start3A_43 = tpu.memref_squeeze %dma_start3A_42 : memref<1x1x32x128xf32, #tpu.memory_space<vmem>> -> memref<32x128xf32, #tpu.memory_space<vmem>>
      %dma_start3A_44 = arith.constant 0 : i32
      %dma_start3A_45 = tpu.memref_slice %arg4[%dma_start3A_44, %multiple_of3A] : memref<32x1000000xf32, #tpu.memory_space<hbm>> -> memref<32x128xf32, #tpu.memory_space<hbm>>
      %dma_start3A_46 = tpu.memref_slice %arg9[%rem3A_21] : memref<8x!tpu.dma_semaphore, #tpu.memory_space<semaphore_mem>> -> memref<1x!tpu.dma_semaphore, #tpu.memory_space<semaphore_mem>>
      %dma_start3A_47 = tpu.memref_squeeze %dma_start3A_46 : memref<1x!tpu.dma_semaphore, #tpu.memory_space<semaphore_mem>> -> memref<!tpu.dma_semaphore, #tpu.memory_space<semaphore_mem>>
      %dma_start3A_48 = arith.constant 0 : i32
      %dma_start3A_49 = arith.constant 0 : i32
      %dma_start3A_50 = tpu.memref_slice %arg7[%rem3A_21, %dma_start3A_39, %dma_start3A_48, %dma_start3A_49] : memref<8x2x32x128xf32, #tpu.memory_space<vmem>> -> memref<1x1x32x128xf32, #tpu.memory_space<vmem>>
      %dma_start3A_51 = tpu.memref_squeeze %dma_start3A_50 : memref<1x1x32x128xf32, #tpu.memory_space<vmem>> -> memref<32x128xf32, #tpu.memory_space<vmem>>
      %dma_start3A_52 = arith.constant 0 : i32
      %dma_start3A_53 = tpu.memref_slice %arg4[%dma_start3A_52, %multiple_of3A] : memref<32x1000000xf32, #tpu.memory_space<hbm>> -> memref<32x128xf32, #tpu.memory_space<hbm>>
      tpu.enqueue_dma source(%dma_start3A_53 : memref<32x128xf32, #tpu.memory_space<hbm>>) target(%dma_start3A_51 : memref<32x128xf32, #tpu.memory_space<vmem>>) target_semaphore(%dma_start3A_47 : memref<!tpu.dma_semaphore, #tpu.memory_space<semaphore_mem>>)
      %ge3A = arith.constant 7 : i32
      %ge3A_54 = arith.cmpi sge, %scan3A_19, %ge3A : i32
      %convert_element_type3A = arith.extui %ge3A_54 : i1 to i32
      %cond3A = arith.constant 0 : i32
      %cond3A_55 = arith.cmpi ne, %convert_element_type3A, %cond3A : i32
      scf.if %cond3A_55 {
        %sub3A_57 = arith.constant 7 : i32
        %sub3A_58 = arith.subi %scan3A_19, %sub3A_57 : i32
        %rem3A_59 = arith.constant 8 : i32
        %rem3A_60 = arith.remsi %sub3A_58, %rem3A_59 : i32
        %get3A_61 = arith.index_cast %sub3A_58 : i32 to index
        %get3A_62 = tpu.vector_load %arg6[%get3A_61] {strides = array<i32>} : memref<528xi32, #tpu.memory_space<vmem>>, vector<16xi32>,
        %slice3A_63 = vector.extract_strided_slice %get3A_62 {offsets = [0], sizes = [1], strides = [1]} : vector<16xi32> to vector<1xi32>
        %squeeze3A_64 = vector.extract %slice3A_63[0] : i32 from vector<1xi32>
        %shift_right_arithmetic3A_65 = arith.constant 7 : i32
        %shift_right_arithmetic3A_66 = arith.shrsi %squeeze3A_64, %shift_right_arithmetic3A_65 : i32
        %shift_left3A_67 = arith.constant 7 : i32
        %shift_left3A_68 = arith.shli %shift_right_arithmetic3A_66, %shift_left3A_67 : i32
        %multiple_of3A_69 = tpu.assume_multiple %shift_left3A_68, 128 : i32
        %sub3A_70 = arith.subi %squeeze3A_64, %multiple_of3A_69 : i32
        %dma_wait3A = arith.constant 0 : i32
        %dma_wait3A_71 = arith.constant 0 : i32
        %dma_wait3A_72 = arith.constant 0 : i32
        %dma_wait3A_73 = tpu.memref_slice %arg7[%rem3A_60, %dma_wait3A, %dma_wait3A_71, %dma_wait3A_72] : memref<8x2x32x128xf32, #tpu.memory_space<vmem>> -> memref<1x1x32x128xf32, #tpu.memory_space<vmem>>
        %dma_wait3A_74 = tpu.memref_squeeze %dma_wait3A_73 : memref<1x1x32x128xf32, #tpu.memory_space<vmem>> -> memref<32x128xf32, #tpu.memory_space<vmem>>
        %dma_wait3A_75 = arith.constant 0 : i32
        %dma_wait3A_76 = arith.constant 0 : i32
        %dma_wait3A_77 = tpu.memref_slice %arg3[%dma_wait3A_75, %dma_wait3A_76] : memref<32x1000000xf32, #tpu.memory_space<hbm>> -> memref<32x128xf32, #tpu.memory_space<hbm>>
        %dma_wait3A_78 = tpu.memref_slice %arg9[%rem3A_60] : memref<8x!tpu.dma_semaphore, #tpu.memory_space<semaphore_mem>> -> memref<1x!tpu.dma_semaphore, #tpu.memory_space<semaphore_mem>>
        %dma_wait3A_79 = tpu.memref_squeeze %dma_wait3A_78 : memref<1x!tpu.dma_semaphore, #tpu.memory_space<semaphore_mem>> -> memref<!tpu.dma_semaphore, #tpu.memory_space<semaphore_mem>>
        %dma_wait3A_80 = arith.constant 0 : i32
        %dma_wait3A_81 = arith.constant 0 : i32
        %dma_wait3A_82 = tpu.memref_slice %arg7[%rem3A_60, %dma_wait3A, %dma_wait3A_80, %dma_wait3A_81] : memref<8x2x32x128xf32, #tpu.memory_space<vmem>> -> memref<1x1x32x128xf32, #tpu.memory_space<vmem>>
        %dma_wait3A_83 = tpu.memref_squeeze %dma_wait3A_82 : memref<1x1x32x128xf32, #tpu.memory_space<vmem>> -> memref<32x128xf32, #tpu.memory_space<vmem>>
        %dma_wait3A_84 = arith.constant 0 : i32
        %dma_wait3A_85 = arith.constant 0 : i32
        %dma_wait3A_86 = tpu.memref_slice %arg3[%dma_wait3A_84, %dma_wait3A_85] : memref<32x1000000xf32, #tpu.memory_space<hbm>> -> memref<32x128xf32, #tpu.memory_space<hbm>>
        tpu.wait_dma2 semaphore(%dma_wait3A_79 : memref<!tpu.dma_semaphore, #tpu.memory_space<semaphore_mem>>) src(%dma_wait3A_86 : memref<32x128xf32, #tpu.memory_space<hbm>>) dst(%dma_wait3A_83 : memref<32x128xf32, #tpu.memory_space<vmem>>)
        %dma_wait3A_87 = arith.constant 0 : i32
        %dma_wait3A_88 = arith.constant 0 : i32
        %dma_wait3A_89 = arith.constant 0 : i32
        %dma_wait3A_90 = tpu.memref_slice %arg7[%rem3A_60, %dma_wait3A_87, %dma_wait3A_88, %dma_wait3A_89] : memref<8x2x32x128xf32, #tpu.memory_space<vmem>> -> memref<1x1x32x128xf32, #tpu.memory_space<vmem>>
        %dma_wait3A_91 = tpu.memref_squeeze %dma_wait3A_90 : memref<1x1x32x128xf32, #tpu.memory_space<vmem>> -> memref<32x128xf32, #tpu.memory_space<vmem>>
        %dma_wait3A_92 = arith.constant 0 : i32
        %dma_wait3A_93 = arith.constant 0 : i32
        %dma_wait3A_94 = tpu.memref_slice %arg3[%dma_wait3A_92, %dma_wait3A_93] : memref<32x1000000xf32, #tpu.memory_space<hbm>> -> memref<32x128xf32, #tpu.memory_space<hbm>>
        %dma_wait3A_95 = tpu.memref_slice %arg9[%rem3A_60] : memref<8x!tpu.dma_semaphore, #tpu.memory_space<semaphore_mem>> -> memref<1x!tpu.dma_semaphore, #tpu.memory_space<semaphore_mem>>
        %dma_wait3A_96 = tpu.memref_squeeze %dma_wait3A_95 : memref<1x!tpu.dma_semaphore, #tpu.memory_space<semaphore_mem>> -> memref<!tpu.dma_semaphore, #tpu.memory_space<semaphore_mem>>
        %dma_wait3A_97 = arith.constant 0 : i32
        %dma_wait3A_98 = arith.constant 0 : i32
        %dma_wait3A_99 = tpu.memref_slice %arg7[%rem3A_60, %dma_wait3A_87, %dma_wait3A_97, %dma_wait3A_98] : memref<8x2x32x128xf32, #tpu.memory_space<vmem>> -> memref<1x1x32x128xf32, #tpu.memory_space<vmem>>
        %dma_wait3A_100 = tpu.memref_squeeze %dma_wait3A_99 : memref<1x1x32x128xf32, #tpu.memory_space<vmem>> -> memref<32x128xf32, #tpu.memory_space<vmem>>
        %dma_wait3A_101 = arith.constant 0 : i32
        %dma_wait3A_102 = arith.constant 0 : i32
        %dma_wait3A_103 = tpu.memref_slice %arg3[%dma_wait3A_101, %dma_wait3A_102] : memref<32x1000000xf32, #tpu.memory_space<hbm>> -> memref<32x128xf32, #tpu.memory_space<hbm>>
        tpu.wait_dma2 semaphore(%dma_wait3A_96 : memref<!tpu.dma_semaphore, #tpu.memory_space<semaphore_mem>>) src(%dma_wait3A_103 : memref<32x128xf32, #tpu.memory_space<hbm>>) dst(%dma_wait3A_100 : memref<32x128xf32, #tpu.memory_space<vmem>>)
        %add3A_104 = vector.broadcast %sub3A_70 : i32 to vector<16xi32>
        %add3A_105 = arith.addi %mul3A_5, %add3A_104 : vector<16xi32>
        %add3A_106 = vector.broadcast %sub3A_58 : i32 to vector<16xi32>
        %add3A_107 = arith.addi %mul3A_5, %add3A_106 : vector<16xi32>
        %add3A_108 = arith.constant 0 : i32
        %add3A_109 = vector.broadcast %add3A_108 : i32 to vector<16xi32>
        %add3A_110 = arith.addi %mul3A_5, %add3A_109 : vector<16xi32>
        %add3A_111 = arith.constant 0 : i32
        %add3A_112 = vector.broadcast %add3A_111 : i32 to vector<16xi32>
        %add3A_113 = arith.addi %iota3A, %add3A_112 : vector<16xi32>
        %add3A_114 = vector.broadcast %rem3A_60 : i32 to vector<16xi32>
        %add3A_115 = arith.addi %mul3A_5, %add3A_114 : vector<16xi32>
        %gather3A = tpu.vector_load_idx %arg7[%add3A_115, %add3A_110, %add3A_113, %add3A_105] : memref<8x2x32x128xf32, #tpu.memory_space<vmem>>[vector<16xi32>, vector<16xi32>, vector<16xi32>, vector<16xi32>], vector<16xf32>,
        %add3A_116 = arith.constant 0 : i32
        %add3A_117 = vector.broadcast %add3A_116 : i32 to vector<16xi32>
        %add3A_118 = arith.addi %iota3A, %add3A_117 : vector<16xi32>
        tpu.vector_store_idx %arg8[%add3A_118, %add3A_107], %gather3A : memref<64x512xf32, #tpu.memory_space<vmem>>[vector<16xi32>, vector<16xi32>], vector<16xf32>,
        %add3A_119 = arith.constant 16 : i32
        %add3A_120 = vector.broadcast %add3A_119 : i32 to vector<16xi32>
        %add3A_121 = arith.addi %iota3A, %add3A_120 : vector<16xi32>
        %add3A_122 = vector.broadcast %rem3A_60 : i32 to vector<16xi32>
        %add3A_123 = arith.addi %mul3A_5, %add3A_122 : vector<16xi32>
        %gather3A_124 = tpu.vector_load_idx %arg7[%add3A_123, %add3A_110, %add3A_121, %add3A_105] : memref<8x2x32x128xf32, #tpu.memory_space<vmem>>[vector<16xi32>, vector<16xi32>, vector<16xi32>, vector<16xi32>], vector<16xf32>,
        %add3A_125 = arith.constant 16 : i32
        %add3A_126 = vector.broadcast %add3A_125 : i32 to vector<16xi32>
        %add3A_127 = arith.addi %iota3A, %add3A_126 : vector<16xi32>
        tpu.vector_store_idx %arg8[%add3A_127, %add3A_107], %gather3A_124 : memref<64x512xf32, #tpu.memory_space<vmem>>[vector<16xi32>, vector<16xi32>], vector<16xf32>,
        %add3A_128 = arith.constant 1 : i32
        %add3A_129 = vector.broadcast %add3A_128 : i32 to vector<16xi32>
        %add3A_130 = arith.addi %mul3A_5, %add3A_129 : vector<16xi32>
        %add3A_131 = arith.constant 0 : i32
        %add3A_132 = vector.broadcast %add3A_131 : i32 to vector<16xi32>
        %add3A_133 = arith.addi %iota3A, %add3A_132 : vector<16xi32>
        %add3A_134 = vector.broadcast %rem3A_60 : i32 to vector<16xi32>
        %add3A_135 = arith.addi %mul3A_5, %add3A_134 : vector<16xi32>
        %gather3A_136 = tpu.vector_load_idx %arg7[%add3A_135, %add3A_130, %add3A_133, %add3A_105] : memref<8x2x32x128xf32, #tpu.memory_space<vmem>>[vector<16xi32>, vector<16xi32>, vector<16xi32>, vector<16xi32>], vector<16xf32>,
        %add3A_137 = arith.constant 32 : i32
        %add3A_138 = vector.broadcast %add3A_137 : i32 to vector<16xi32>
        %add3A_139 = arith.addi %iota3A, %add3A_138 : vector<16xi32>
        tpu.vector_store_idx %arg8[%add3A_139, %add3A_107], %gather3A_136 : memref<64x512xf32, #tpu.memory_space<vmem>>[vector<16xi32>, vector<16xi32>], vector<16xf32>,
        %add3A_140 = arith.constant 16 : i32
        %add3A_141 = vector.broadcast %add3A_140 : i32 to vector<16xi32>
        %add3A_142 = arith.addi %iota3A, %add3A_141 : vector<16xi32>
        %add3A_143 = vector.broadcast %rem3A_60 : i32 to vector<16xi32>
        %add3A_144 = arith.addi %mul3A_5, %add3A_143 : vector<16xi32>
        %gather3A_145 = tpu.vector_load_idx %arg7[%add3A_144, %add3A_130, %add3A_142, %add3A_105] : memref<8x2x32x128xf32, #tpu.memory_space<vmem>>[vector<16xi32>, vector<16xi32>, vector<16xi32>, vector<16xi32>], vector<16xf32>,
        %add3A_146 = arith.constant 48 : i32
        %add3A_147 = vector.broadcast %add3A_146 : i32 to vector<16xi32>
        %add3A_148 = arith.addi %iota3A, %add3A_147 : vector<16xi32>
        tpu.vector_store_idx %arg8[%add3A_148, %add3A_107], %gather3A_145 : memref<64x512xf32, #tpu.memory_space<vmem>>[vector<16xi32>, vector<16xi32>], vector<16xf32>,
      } else {
      }
      %scan3A_56 = arith.constant 0 : i32
      scf.yield %scan3A_56 : i32
    }
    %scan3A_11 = arith.constant 512 : i32
    %scan3A_12 = arith.constant 0 : i32
    %scan3A_13 = arith.constant 505 : i32
    %scan3A_14 = arith.constant 7 : i32
    %scan3A_15 = arith.addi %scan3A_13, %scan3A_14 : i32
    %scan3A_16 = arith.constant 1 : i32
    %scan3A_17 = scf.for %scan3A_19 = %scan3A_13 to %scan3A_15 step %scan3A_16 iter_args(%scan3A_20 = %scan3A_12) -> (i32)  : i32 {
      %rem3A = arith.constant 8 : i32
      %rem3A_21 = arith.remsi %scan3A_19, %rem3A : i32
      %get3A = arith.index_cast %scan3A_19 : i32 to index
      %get3A_22 = tpu.vector_load %arg6[%get3A] {strides = array<i32>} : memref<528xi32, #tpu.memory_space<vmem>>, vector<16xi32>,
      %slice3A = vector.extract_strided_slice %get3A_22 {offsets = [0], sizes = [1], strides = [1]} : vector<16xi32> to vector<1xi32>
      %squeeze3A = vector.extract %slice3A[0] : i32 from vector<1xi32>
      %shift_right_arithmetic3A = arith.constant 7 : i32
      %shift_right_arithmetic3A_23 = arith.shrsi %squeeze3A, %shift_right_arithmetic3A : i32
      %shift_left3A = arith.constant 7 : i32
      %shift_left3A_24 = arith.shli %shift_right_arithmetic3A_23, %shift_left3A : i32
      %multiple_of3A = tpu.assume_multiple %shift_left3A_24, 128 : i32
      %sub3A = arith.subi %squeeze3A, %multiple_of3A : i32
      %dma_wait3A = arith.constant 0 : i32
      %dma_wait3A_25 = arith.constant 0 : i32
      %dma_wait3A_26 = arith.constant 0 : i32
      %dma_wait3A_27 = tpu.memref_slice %arg7[%rem3A_21, %dma_wait3A, %dma_wait3A_25, %dma_wait3A_26] : memref<8x2x32x128xf32, #tpu.memory_space<vmem>> -> memref<1x1x32x128xf32, #tpu.memory_space<vmem>>
      %dma_wait3A_28 = tpu.memref_squeeze %dma_wait3A_27 : memref<1x1x32x128xf32, #tpu.memory_space<vmem>> -> memref<32x128xf32, #tpu.memory_space<vmem>>
      %dma_wait3A_29 = arith.constant 0 : i32
      %dma_wait3A_30 = arith.constant 0 : i32
      %dma_wait3A_31 = tpu.memref_slice %arg3[%dma_wait3A_29, %dma_wait3A_30] : memref<32x1000000xf32, #tpu.memory_space<hbm>> -> memref<32x128xf32, #tpu.memory_space<hbm>>
      %dma_wait3A_32 = tpu.memref_slice %arg9[%rem3A_21] : memref<8x!tpu.dma_semaphore, #tpu.memory_space<semaphore_mem>> -> memref<1x!tpu.dma_semaphore, #tpu.memory_space<semaphore_mem>>
      %dma_wait3A_33 = tpu.memref_squeeze %dma_wait3A_32 : memref<1x!tpu.dma_semaphore, #tpu.memory_space<semaphore_mem>> -> memref<!tpu.dma_semaphore, #tpu.memory_space<semaphore_mem>>
      %dma_wait3A_34 = arith.constant 0 : i32
      %dma_wait3A_35 = arith.constant 0 : i32
      %dma_wait3A_36 = tpu.memref_slice %arg7[%rem3A_21, %dma_wait3A, %dma_wait3A_34, %dma_wait3A_35] : memref<8x2x32x128xf32, #tpu.memory_space<vmem>> -> memref<1x1x32x128xf32, #tpu.memory_space<vmem>>
      %dma_wait3A_37 = tpu.memref_squeeze %dma_wait3A_36 : memref<1x1x32x128xf32, #tpu.memory_space<vmem>> -> memref<32x128xf32, #tpu.memory_space<vmem>>
      %dma_wait3A_38 = arith.constant 0 : i32
      %dma_wait3A_39 = arith.constant 0 : i32
      %dma_wait3A_40 = tpu.memref_slice %arg3[%dma_wait3A_38, %dma_wait3A_39] : memref<32x1000000xf32, #tpu.memory_space<hbm>> -> memref<32x128xf32, #tpu.memory_space<hbm>>
      tpu.wait_dma2 semaphore(%dma_wait3A_33 : memref<!tpu.dma_semaphore, #tpu.memory_space<semaphore_mem>>) src(%dma_wait3A_40 : memref<32x128xf32, #tpu.memory_space<hbm>>) dst(%dma_wait3A_37 : memref<32x128xf32, #tpu.memory_space<vmem>>)
      %dma_wait3A_41 = arith.constant 0 : i32
      %dma_wait3A_42 = arith.constant 0 : i32
      %dma_wait3A_43 = arith.constant 0 : i32
      %dma_wait3A_44 = tpu.memref_slice %arg7[%rem3A_21, %dma_wait3A_41, %dma_wait3A_42, %dma_wait3A_43] : memref<8x2x32x128xf32, #tpu.memory_space<vmem>> -> memref<1x1x32x128xf32, #tpu.memory_space<vmem>>
      %dma_wait3A_45 = tpu.memref_squeeze %dma_wait3A_44 : memref<1x1x32x128xf32, #tpu.memory_space<vmem>> -> memref<32x128xf32, #tpu.memory_space<vmem>>
      %dma_wait3A_46 = arith.constant 0 : i32
      %dma_wait3A_47 = arith.constant 0 : i32
      %dma_wait3A_48 = tpu.memref_slice %arg3[%dma_wait3A_46, %dma_wait3A_47] : memref<32x1000000xf32, #tpu.memory_space<hbm>> -> memref<32x128xf32, #tpu.memory_space<hbm>>
      %dma_wait3A_49 = tpu.memref_slice %arg9[%rem3A_21] : memref<8x!tpu.dma_semaphore, #tpu.memory_space<semaphore_mem>> -> memref<1x!tpu.dma_semaphore, #tpu.memory_space<semaphore_mem>>
      %dma_wait3A_50 = tpu.memref_squeeze %dma_wait3A_49 : memref<1x!tpu.dma_semaphore, #tpu.memory_space<semaphore_mem>> -> memref<!tpu.dma_semaphore, #tpu.memory_space<semaphore_mem>>
      %dma_wait3A_51 = arith.constant 0 : i32
      %dma_wait3A_52 = arith.constant 0 : i32
      %dma_wait3A_53 = tpu.memref_slice %arg7[%rem3A_21, %dma_wait3A_41, %dma_wait3A_51, %dma_wait3A_52] : memref<8x2x32x128xf32, #tpu.memory_space<vmem>> -> memref<1x1x32x128xf32, #tpu.memory_space<vmem>>
      %dma_wait3A_54 = tpu.memref_squeeze %dma_wait3A_53 : memref<1x1x32x128xf32, #tpu.memory_space<vmem>> -> memref<32x128xf32, #tpu.memory_space<vmem>>
      %dma_wait3A_55 = arith.constant 0 : i32
      %dma_wait3A_56 = arith.constant 0 : i32
      %dma_wait3A_57 = tpu.memref_slice %arg3[%dma_wait3A_55, %dma_wait3A_56] : memref<32x1000000xf32, #tpu.memory_space<hbm>> -> memref<32x128xf32, #tpu.memory_space<hbm>>
      tpu.wait_dma2 semaphore(%dma_wait3A_50 : memref<!tpu.dma_semaphore, #tpu.memory_space<semaphore_mem>>) src(%dma_wait3A_57 : memref<32x128xf32, #tpu.memory_space<hbm>>) dst(%dma_wait3A_54 : memref<32x128xf32, #tpu.memory_space<vmem>>)
      %add3A_58 = vector.broadcast %sub3A : i32 to vector<16xi32>
      %add3A_59 = arith.addi %mul3A_5, %add3A_58 : vector<16xi32>
      %add3A_60 = vector.broadcast %scan3A_19 : i32 to vector<16xi32>
      %add3A_61 = arith.addi %mul3A_5, %add3A_60 : vector<16xi32>
      %add3A_62 = arith.constant 0 : i32
      %add3A_63 = vector.broadcast %add3A_62 : i32 to vector<16xi32>
      %add3A_64 = arith.addi %mul3A_5, %add3A_63 : vector<16xi32>
      %add3A_65 = arith.constant 0 : i32
      %add3A_66 = vector.broadcast %add3A_65 : i32 to vector<16xi32>
      %add3A_67 = arith.addi %iota3A, %add3A_66 : vector<16xi32>
      %add3A_68 = vector.broadcast %rem3A_21 : i32 to vector<16xi32>
      %add3A_69 = arith.addi %mul3A_5, %add3A_68 : vector<16xi32>
      %gather3A = tpu.vector_load_idx %arg7[%add3A_69, %add3A_64, %add3A_67, %add3A_59] : memref<8x2x32x128xf32, #tpu.memory_space<vmem>>[vector<16xi32>, vector<16xi32>, vector<16xi32>, vector<16xi32>], vector<16xf32>,
      %add3A_70 = arith.constant 0 : i32
      %add3A_71 = vector.broadcast %add3A_70 : i32 to vector<16xi32>
      %add3A_72 = arith.addi %iota3A, %add3A_71 : vector<16xi32>
      tpu.vector_store_idx %arg8[%add3A_72, %add3A_61], %gather3A : memref<64x512xf32, #tpu.memory_space<vmem>>[vector<16xi32>, vector<16xi32>], vector<16xf32>,
      %add3A_73 = arith.constant 16 : i32
      %add3A_74 = vector.broadcast %add3A_73 : i32 to vector<16xi32>
      %add3A_75 = arith.addi %iota3A, %add3A_74 : vector<16xi32>
      %add3A_76 = vector.broadcast %rem3A_21 : i32 to vector<16xi32>
      %add3A_77 = arith.addi %mul3A_5, %add3A_76 : vector<16xi32>
      %gather3A_78 = tpu.vector_load_idx %arg7[%add3A_77, %add3A_64, %add3A_75, %add3A_59] : memref<8x2x32x128xf32, #tpu.memory_space<vmem>>[vector<16xi32>, vector<16xi32>, vector<16xi32>, vector<16xi32>], vector<16xf32>,
      %add3A_79 = arith.constant 16 : i32
      %add3A_80 = vector.broadcast %add3A_79 : i32 to vector<16xi32>
      %add3A_81 = arith.addi %iota3A, %add3A_80 : vector<16xi32>
      tpu.vector_store_idx %arg8[%add3A_81, %add3A_61], %gather3A_78 : memref<64x512xf32, #tpu.memory_space<vmem>>[vector<16xi32>, vector<16xi32>], vector<16xf32>,
      %add3A_82 = arith.constant 1 : i32
      %add3A_83 = vector.broadcast %add3A_82 : i32 to vector<16xi32>
      %add3A_84 = arith.addi %mul3A_5, %add3A_83 : vector<16xi32>
      %add3A_85 = arith.constant 0 : i32
      %add3A_86 = vector.broadcast %add3A_85 : i32 to vector<16xi32>
      %add3A_87 = arith.addi %iota3A, %add3A_86 : vector<16xi32>
      %add3A_88 = vector.broadcast %rem3A_21 : i32 to vector<16xi32>
      %add3A_89 = arith.addi %mul3A_5, %add3A_88 : vector<16xi32>
      %gather3A_90 = tpu.vector_load_idx %arg7[%add3A_89, %add3A_84, %add3A_87, %add3A_59] : memref<8x2x32x128xf32, #tpu.memory_space<vmem>>[vector<16xi32>, vector<16xi32>, vector<16xi32>, vector<16xi32>], vector<16xf32>,
      %add3A_91 = arith.constant 32 : i32
      %add3A_92 = vector.broadcast %add3A_91 : i32 to vector<16xi32>
      %add3A_93 = arith.addi %iota3A, %add3A_92 : vector<16xi32>
      tpu.vector_store_idx %arg8[%add3A_93, %add3A_61], %gather3A_90 : memref<64x512xf32, #tpu.memory_space<vmem>>[vector<16xi32>, vector<16xi32>], vector<16xf32>,
      %add3A_94 = arith.constant 16 : i32
      %add3A_95 = vector.broadcast %add3A_94 : i32 to vector<16xi32>
      %add3A_96 = arith.addi %iota3A, %add3A_95 : vector<16xi32>
      %add3A_97 = vector.broadcast %rem3A_21 : i32 to vector<16xi32>
      %add3A_98 = arith.addi %mul3A_5, %add3A_97 : vector<16xi32>
      %gather3A_99 = tpu.vector_load_idx %arg7[%add3A_98, %add3A_84, %add3A_96, %add3A_59] : memref<8x2x32x128xf32, #tpu.memory_space<vmem>>[vector<16xi32>, vector<16xi32>, vector<16xi32>, vector<16xi32>], vector<16xf32>,
      %add3A_100 = arith.constant 48 : i32
      %add3A_101 = vector.broadcast %add3A_100 : i32 to vector<16xi32>
      %add3A_102 = arith.addi %iota3A, %add3A_101 : vector<16xi32>
      tpu.vector_store_idx %arg8[%add3A_102, %add3A_61], %gather3A_99 : memref<64x512xf32, #tpu.memory_space<vmem>>[vector<16xi32>, vector<16xi32>], vector<16xf32>,
      %scan3A_103 = arith.constant 0 : i32
      scf.yield %scan3A_103 : i32
    }
    %scan3A_18 = arith.constant 7 : i32
    "tpu.region"() ({
      %run_scoped3A = tpu.sem_alloc : memref<!tpu.dma_semaphore, #tpu.memory_space<semaphore_mem>>
      %dma_start3A = arith.constant 0 : i32
      %dma_start3A_19 = tpu.memref_slice %arg5[%dma_start3A, %mul3A_2] : memref<64x16384xf32, #tpu.memory_space<hbm>> -> memref<64x512xf32, #tpu.memory_space<hbm>>
      %dma_start3A_20 = arith.constant 0 : i32
      %dma_start3A_21 = tpu.memref_slice %arg5[%dma_start3A_20, %mul3A_2] : memref<64x16384xf32, #tpu.memory_space<hbm>> -> memref<64x512xf32, #tpu.memory_space<hbm>>
      tpu.enqueue_dma source(%arg8 : memref<64x512xf32, #tpu.memory_space<vmem>>) target(%dma_start3A_21 : memref<64x512xf32, #tpu.memory_space<hbm>>) target_semaphore(%run_scoped3A : memref<!tpu.dma_semaphore, #tpu.memory_space<semaphore_mem>>)
      %dma_wait3A = arith.constant 0 : i32
      %dma_wait3A_22 = tpu.memref_slice %arg5[%dma_wait3A, %mul3A_2] : memref<64x16384xf32, #tpu.memory_space<hbm>> -> memref<64x512xf32, #tpu.memory_space<hbm>>
      %dma_wait3A_23 = arith.constant 0 : i32
      %dma_wait3A_24 = tpu.memref_slice %arg5[%dma_wait3A_23, %mul3A_2] : memref<64x16384xf32, #tpu.memory_space<hbm>> -> memref<64x512xf32, #tpu.memory_space<hbm>>
      tpu.wait_dma2 semaphore(%run_scoped3A : memref<!tpu.dma_semaphore, #tpu.memory_space<semaphore_mem>>) src(%arg8 : memref<64x512xf32, #tpu.memory_space<vmem>>) dst(%dma_wait3A_24 : memref<64x512xf32, #tpu.memory_space<hbm>>)
      tpu.yield
    }) : () -> ()
    return
  }
}

</mosaic_0001>

<sc_bundles>
// kernel: kernel.3.cloned.1.call-start
scs
__scs_entry_jumppad:
0x0: {  	(pc) =	sbr.rel $0x88, $3  }
0x1: {  	(tag) =	ssettag $0x0;
	lr =	simm.s32 $0x1  }
0x2: {  	[smem:$0x3F9E] =	sst lr;
	_ =	strace $0xD0000000  }
0x3: {  	_ = 	snop  }
0x4: {  	_ = 	snop  }
0x5: {  	_ = 	snop  }
0x6: {  	_ = 	snop  }
0x7: {  	_ = 	snop  }
__scs_overlays_trampoline_lowered:
0x8: {  	[smem:$0x3FAD] =	sst s0  }
0x9: {  	[smem:$0x3FAE] =	sst s1  }
0xa: {  	[smem:$0x3FAF] =	sst s2  }
0xb: {  	[smem:$0x3FB0] =	sst s3  }
0xc: {  	[smem:$0x3FB1] =	sst s4  }
0xd: {  	[smem:$0x3FB2] =	sst s5  }
0xe: {  	[smem:$0x3FB3] =	sst s6  }
0xf: {  	[smem:$0x3FB4] =	sst s7  }
0x10: {  	[smem:$0x3FB5] =	sst s8  }
0x11: {  	[smem:$0x3FB6] =	sst s9;
	s0 =	simm.s32 @!p0 $0x0  }
0x12: {  	s1 =	sld [smem:$0x3F9C];
	s0 =	simm.s32 @p0 $0x1  }
0x13: {  	[smem:$0x3FB7] =	sst s0;
	s0 =	simm.s32 @!p1 $0x0  }
0x14: {  	s2 =	sld [smem:$0x3F9B];
	s0 =	simm.s32 @p1 $0x1  }
0x15: {  	[smem:$0x3FB8] =	sst s0;
	s0 =	simm.s32 @!p2 $0x0  }
0x16: {  	s3 =	sld [smem:$0x3FDB];
	s0 =	simm.s32 @p2 $0x1  }
0x17: {  	s4 =	simm.s32 $0x1BF5;
	[smem:$0x3FBA] =	sst s0  }
0x18: {  	s0 =	sld [smem:$0x3F9D];
	_ =	swait.ge [sflag:s4], $0x0  }
0x19: {  	s7 =	sld [smem:$0x3F9E]  }
0x1a: {  	s8 =	sadd.s32 $0xFFFFE003, lr  }
0x1b: {  	s9 =	sadd.s32 $0xFFFFFEF7, lr;
	s5 =	simm.s32 $0xFFFFFFFF;
	p2 =	slt.u32 s8, $0xFFFFF086  }
0x1c: {  	p1 =	slt.u32 s9, $0xF7A;
	s5 =	simm.s32 @!p2 $0x0  }
0x1d: {  	s5 =	simm.s32 @p1 $0x1;
	p0 =	seq.s32 s7, s2  }
0x1e: {  	s7 =	smul.u32 @!p0 $0xF7A, s2;
	p2 =	seq.s32 @!p0 s5, $0x0  }
0x1f: {  	s9 =	smul.u32 $0xF7A, s1;
	s8 =	simm.s32 @!p0 $0x1BF5;
	p2 =	por !p2, p0  }
0x20: {  	[sflag:s8] =	ssyncset.s32 @!p0 $0xFFFFF086;
	s6 =	sadd.s32 @!p0 s3, s7;
	s7 =	simm.s32 @!p0 $0x108  }
0x21: {  	s3 =	sadd.s32 s3, s9;
	s6 =	sadd.s32 @!p0 $0x88, s6;
	s7 =	simm.s32 @p2 $0x1082  }
0x22: {  	[simem:s7], [sflag:s8] =	dma.local @!p0 [hbm:s6], $0xF7A  }
0x23: {  	s9 =	sor.u32 $0xD0000000, s2;
	s6 =	simm.s32 $0x108;
	_ =	swait.ge @!p0 [sflag:s8], $0x0  }
0x24: {  	s3 =	sadd.s32 $0x88, s3;
	s6 =	simm.s32 @!p1 $0x1082;
	[sflag:s4] =	ssyncset.s32 $0xFFFFF086  }
0x25: {  	[simem:s6], [sflag:s4] =	dma.local [hbm:s3], $0xF7A  }
0x26: {  	[smem:$0x3F9E] =	sst s1;
	(tag) =	ssettag s2;
	_ =	strace s9  }
0x27: {  	s1 =	sld [smem:$0x3FAE]  }
0x28: {  	s2 =	sld [smem:$0x3FAF]  }
0x29: {  	s4 =	sld [smem:$0x3FB1]  }
0x2a: {  	p0 =	seq.s32 s5, $0x0;
	s5 =	sld [smem:$0x3FB2]  }
0x2b: {  	s6 =	sld [smem:$0x3FB3]  }
0x2c: {  	s7 =	sld [smem:$0x3FB4]  }
0x2d: {  	s3 =	simm.s32 $0x108;
	s8 =	sld [smem:$0x3FB5]  }
0x2e: {  	s3 =	simm.s32 @!p0 $0x1082;
	s9 =	sld [smem:$0x3FB6]  }
0x2f: {  	lr =	sadd.s32 s0, s3;
	s0 =	sld [smem:$0x3FAD]  }
0x30: {  	s3 =	sld [smem:$0x3FB0]  }
0x31: {  	[smem:$0x3FB9] =	sst s10  }
0x32: {  	s10 =	sld [smem:$0x3FB7];
	_ =	sdelay $0x3  }
0x33: {  	p0 =	seq.s32 s10, $0x1;
	s10 =	sld [smem:$0x3FB9];
	_ =	sdelay $0x3  }
0x34: {  	[smem:$0x3FB9] =	sst s10  }
0x35: {  	s10 =	sld [smem:$0x3FB8];
	_ =	sdelay $0x3  }
0x36: {  	p1 =	seq.s32 s10, $0x1;
	s10 =	sld [smem:$0x3FB9];
	_ =	sdelay $0x3  }
0x37: {  	[smem:$0x3FB9] =	sst s10  }
0x38: {  	s10 =	sld [smem:$0x3FBA]  }
0x39: {  	_ = 	snop;
	(pc) =	sbr.ind lr, $3  }
0x3a: {  	_ = 	snop  }
0x3b: {  	_ = 	snop  }
0x3c: {  	p2 =	seq.s32 s10, $0x1;
	s10 =	sld [smem:$0x3FB9]  }
0x3d: {  	_ =	shalt  }
0x3e: {  	_ =	shalt  }
0x3f: {  	_ =	shalt  }
0x40: {  	_ =	shalt  }
0x41: {  	_ =	shalt  }
0x42: {  	_ =	shalt  }
0x43: {  	_ =	shalt  }
0x44: {  	_ =	shalt  }
0x45: {  	_ =	shalt  }
0x46: {  	_ =	shalt  }
0x47: {  	_ =	shalt  }
0x48: {  	_ =	shalt  }
0x49: {  	_ =	shalt  }
0x4a: {  	_ =	shalt  }
0x4b: {  	_ =	shalt  }
0x4c: {  	_ =	shalt  }
0x4d: {  	_ =	shalt  }
0x4e: {  	_ =	shalt  }
0x4f: {  	_ =	shalt  }
0x50: {  	_ =	shalt  }
0x51: {  	_ =	shalt  }
0x52: {  	_ =	shalt  }
0x53: {  	_ =	shalt  }
0x54: {  	_ =	shalt  }
0x55: {  	_ =	shalt  }
0x56: {  	_ =	shalt  }
0x57: {  	_ =	shalt  }
0x58: {  	_ =	shalt  }
0x59: {  	_ =	shalt  }
0x5a: {  	_ =	shalt  }
0x5b: {  	_ =	shalt  }
0x5c: {  	_ =	shalt  }
0x5d: {  	_ =	shalt  }
0x5e: {  	_ =	shalt  }
0x5f: {  	_ =	shalt  }
0x60: {  	_ =	shalt  }
0x61: {  	_ =	shalt  }
0x62: {  	_ =	shalt  }
0x63: {  	_ =	shalt  }
0x64: {  	_ =	shalt  }
0x65: {  	_ =	shalt  }
0x66: {  	_ =	shalt  }
0x67: {  	_ =	shalt  }
0x68: {  	_ =	shalt  }
0x69: {  	_ =	shalt  }
0x6a: {  	_ =	shalt  }
0x6b: {  	_ =	shalt  }
0x6c: {  	_ =	shalt  }
0x6d: {  	_ =	shalt  }
0x6e: {  	_ =	shalt  }
0x6f: {  	_ =	shalt  }
0x70: {  	_ =	shalt  }
0x71: {  	_ =	shalt  }
0x72: {  	_ =	shalt  }
0x73: {  	_ =	shalt  }
0x74: {  	_ =	shalt  }
0x75: {  	_ =	shalt  }
0x76: {  	_ =	shalt  }
0x77: {  	_ =	shalt  }
0x78: {  	_ =	shalt  }
0x79: {  	_ =	shalt  }
0x7a: {  	_ =	shalt  }
0x7b: {  	_ =	shalt  }
0x7c: {  	_ =	shalt  }
0x7d: {  	_ =	shalt  }
0x7e: {  	_ =	shalt  }
0x7f: {  	_ =	shalt  }
0x80: {  	_ =	shalt  }
0x81: {  	_ =	shalt  }
0x82: {  	_ =	shalt  }
0x83: {  	_ =	shalt  }
0x84: {  	_ =	shalt  }
0x85: {  	_ =	shalt  }
0x86: {  	_ =	shalt  }
0x87: {  	_ =	shalt  }
.Lfunc_end0:
.L_simem_size_0:
called_computation_lowered:
.L_overlay_start_0:
0x88: {  	s2 =	sld [smem:$0x3FD9]  }
0x89: {  	s3 =	sld [smem:$0x3FFE];
	_ =	sdelay $0x1  }
0x8a: {  	s1 =	srdreg.scid  }
0x8b: {  	s0 =	sand.u32 $0x1, s1  }
0x8c: {  	s18 =	sshll.u32 s0, $0xA;
	s2 =	sadd.s32 s3, s2  }
0x8d: {  	s2 =	sadd.s32 s2, s18  }
0x8e: {  	[smem:$0x3FC5] =	sst s2  }
0x8f: {  	_ = 	snop  }
0x90: {  	s2 =	sld [smem:$0x3FC9]  }
0x91: {  	s19 =	sld [smem:$0x3FC8]  }
0x92: {  	s4 =	sld [smem:$0x3FC7]  }
0x93: {  	s5 =	sld [smem:$0x3FD0];
	(tm) =	ssettm $0x1  }
0x94: {  	s6 =	sld [smem:$0x3FFB];
	_ =	sdelay $0x3  }
0x95: {  	_ =	strace s6  }
0x96: {  	s6 =	sld [smem:$0x3FFC];
	_ =	sdelay $0x3  }
0x97: {  	_ =	strace s6  }
0x98: {  	s6 =	sld [smem:$0x3FFD];
	_ =	sdelay $0x3  }
0x99: {  	_ =	strace s6  }
0x9a: {  	_ =	strace $0x8FFFFFFF  }
0x9b: {  	s20 =	sld [smem:$0x3FDB];
	_ =	sdelay $0x1  }
0x9c: {  	s7 =	simm.s32 $_scs_section_size  }
0x9d: {  	s8 =	simm.s32 $_size__tile_overlayer_lowered;
	s9 =	simm.s32 $_tile_overlayer_lowered  }
0x9e: {  	s23 =	simm.s32 $0x1BFF;
	s22 =	sshll.u32 s9, $0x1;
	s6 =	sadd.s32 s7, s20  }
0x9f: {  	s10 =	simm.s32 $0x0;
	s21 =	sshll.u32 s8, $0x1;
	s8 =	sadd.s32 s22, s6  }
0xa0: {  	[timem:s10], [sflag:s23] =	dma.local [hbm:s8], s21  }
0xa1: {  	_ =	swait.ge [sflag:s23], s21  }
0xa2: {  	s7 =	ssub.s32 $0x0, s21;
	[sflag:s23] =	ssyncset.done $0x0  }
0xa3: {  	[sflag:s23] =	ssyncadd.s32 s7;
	_ =	sdelay $0x1  }
0xa4: {  	s24 =	simm.s32 $0x1B8B  }
0xa5: {  	_ =	swait.ge [sflag:s24], $0x1  }
0xa6: {  	[sflag:s24] =	ssyncset.done $0x0  }
0xa7: {  	s25 =	simm.s32 $0x1B8E;
	[sflag:s24] =	ssyncadd.s32 $0xFFFFFFFF  }
0xa8: {  	s26 =	simm.s32 $execute0_lowered;
	[smem:$0x3FD2] =	sst s25  }
0xa9: {  	s7 =	sshll.u32 s26, $0x1;
	_ =	strace $0x80000046;
	[dreg:$0x1] =	wrdreg $0xFFFFFFFF  }
0xaa: {  	s28 =	simm.s32 $_size_execute0_lowered;
	s6 =	sadd.s32 s6, s7;
	[dreg:$0x0] =	wrdreg $0x0  }
0xab: {  	s7 =	sshll.u32 s28, $0x1;
	[dreg:$0x2] =	wrdreg s6  }
0xac: {  	[dreg:$0x3] =	wrdreg s7  }
0xad: {  	[dreg:$0x4] =	wrdreg $0xC0  }
0xae: {  	_ =	task [dreg:s10], $0x5FFFF  }
0xaf: {  	[dreg:$0x1] =	wrdreg $0xFFFFFFFF  }
0xb0: {  	[dreg:$0x0] =	wrdreg $0x60  }
0xb1: {  	[dreg:$0x2] =	wrdreg s2  }
0xb2: {  	[dreg:$0x3] =	wrdreg s19  }
0xb3: {  	[dreg:$0x4] =	wrdreg s4  }
0xb4: {  	[dreg:$0x5] =	wrdreg s5  }
0xb5: {  	[dreg:$0x6] =	wrdreg $0x9  }
0xb6: {  	_ =	task.clear_ibuf [dreg:s10], $0x7FFFF;
	_ =	strace $0x90000046  }
0xb7: {  	s29 =	simm.s32 $0x9;
	_ =	strace $0x80000048  }
0xb8: {  	_ =	swait.ge [sflag:s29], $0x1  }
0xb9: {  	[sflag:s29] =	ssyncadd.s32 $0xFFFFFFFF  }
0xba: {  	_ =	strace $0x90000048  }
0xbb: {  	_ =	sfence  }
0xbc: {  	s30 =	sld [smem:$0x0];
	_ =	sdelay $0x2  }
0xbd: {  	s31 =	sshll.u32 s1, $0xD;
	s1 =	sshrl.u32 s1, $0x2  }
0xbe: {  	s3 =	sand.u32 $0x4000, s31;
	s1 =	sadd.s32 s1, s30  }
0xbf: {  	s0 =	sor.u32 s3, s0;
	s1 =	sshll.u32 s1, $0x11  }
0xc0: {  	s0 =	sor.u32 s1, s0  }
0xc1: {  	s0 =	sadd.s32 $0x8F2B, s0  }
0xc2: {  	[sflag:s0] =	ssyncadd.remote.s32 $0x1  }
0xc3: {  	_ =	sfence.sel $0xFFFF  }
0xc4: {  	[dreg:$0x0] =	wrdreg $0xFFFFFFFF;
	(pc) =	sbr.abs _section_cstart, $3  }
0xc5: {  	[dreg:$0x1] =	wrdreg $0xFFFFFFFF  }
0xc6: {  	_ =	task.clear_ibuf [dreg:s10], $0x2FFFF;
	_ =	strace $0x9FFFFFFF  }
0xc7: {  	(tm) =	ssettm $0x7FFFFFFF  }
tec
execute0_lowered:
.L_overlay_start_1:
0x0: {  	(tag) =	ssettag $0x1  }
0x1: {  	v0 =	vimm.s32 $0x1380;
	vm14 =	vcmask $0x300;
	vm13 =	vcmask $0x704  }
0x2: {  	vm12 =	vcmask $0xB08;
	vm11 =	vcmask $0xF0C;
	vm10 =	vcmask $0x1310  }
0x3: {  	vm9 =	vcmask $0x1714;
	vm8 =	vcmask $0x1B18;
	vm7 =	vcmask $0x1F1C  }
0x4: {  	vm6 =	vcmask $0x2320;
	vm5 =	vcmask $0x2724;
	vm4 =	vcmask $0x2B28  }
0x5: {  	vm3 =	vcmask $0x2F2C;
	v1 =	vlaneseq.u32;
	vm2 =	vcmask $0x3330  }
0x6: {  	vm1 =	vcmask $0x3734;
	vm0 =	vcmask $0x3B38;
	v3 =	vimm.s32 $0x3380  }
0x7: {  	v4 =	vimm.s32 $0x5380;
	v5 =	vimm.s32 $0x7380;
	v0 =	vsel vm14, $0x0, v0  }
0x8: {  	v3 =	vsel vm14, $0x2000, v3;
	v4 =	vsel vm14, $0x4000, v4;
	v5 =	vsel vm14, $0x6000, v5  }
0x9: {  	v0 =	vsel vm13, $0x80, v0;
	v3 =	vsel vm13, $0x2080, v3;
	v4 =	vsel vm13, $0x4080, v4  }
0xa: {  	v5 =	vsel vm13, $0x6080, v5;
	v0 =	vsel vm12, $0x100, v0;
	v3 =	vsel vm12, $0x2100, v3  }
0xb: {  	v4 =	vsel vm12, $0x4100, v4;
	v5 =	vsel vm12, $0x6100, v5;
	v0 =	vsel vm11, $0x180, v0  }
0xc: {  	v3 =	vsel vm11, $0x2180, v3;
	v4 =	vsel vm11, $0x4180, v4;
	v5 =	vsel vm11, $0x6180, v5  }
0xd: {  	v0 =	vsel vm10, $0x200, v0;
	v3 =	vsel vm10, $0x2200, v3;
	v4 =	vsel vm10, $0x4200, v4  }
0xe: {  	v5 =	vsel vm10, $0x6200, v5;
	v0 =	vsel vm9, $0x280, v0;
	v3 =	vsel vm9, $0x2280, v3  }
0xf: {  	v4 =	vsel vm9, $0x4280, v4;
	v5 =	vsel vm9, $0x6280, v5;
	v0 =	vsel vm8, $0x300, v0  }
0x10: {  	v3 =	vsel vm8, $0x2300, v3;
	v4 =	vsel vm8, $0x4300, v4;
	v5 =	vsel vm8, $0x6300, v5  }
0x11: {  	s5 =	rddreg [dreg:$0x0];
	v0 =	vsel vm7, $0x380, v0;
	v3 =	vsel vm7, $0x2380, v3;
	v4 =	vsel vm7, $0x4380, v4  }
0x12: {  	s0 =	rddreg [dreg:$0x1];
	v5 =	vsel vm7, $0x6380, v5;
	v0 =	vsel vm6, $0x1000, v0;
	v3 =	vsel vm6, $0x3000, v3  }
0x13: {  	s1 =	rddreg [dreg:$0x2];
	v4 =	vsel vm6, $0x5000, v4;
	v5 =	vsel vm6, $0x7000, v5;
	v0 =	vsel vm5, $0x1080, v0  }
0x14: {  	s6 =	rddreg [dreg:$0x3];
	s4 =	srdreg.scid;
	v3 =	vsel vm5, $0x3080, v3;
	v4 =	vsel vm5, $0x5080, v4;
	v5 =	vsel vm5, $0x7080, v5  }
0x15: {  	s2 =	rddreg [dreg:$0x4];
	s3 =	stileid.u32;
	s11 =	simm.s32 $0x280;
	v0 =	vsel vm4, $0x1100, v0;
	v3 =	vsel vm4, $0x3100, v3;
	v4 =	vsel vm4, $0x5100, v4  }
0x16: {  	s12 =	simm.s32 $0x10280;
	s13 =	simm.s32 $0x1000;
	s14 =	simm.s32 $0x20000;
	v5 =	vsel vm4, $0x7100, v5;
	v2 =	vsel vm3, $0x1180, v0;
	v0 =	vmul.u32 $0x80, v1  }
0x17: {  	s15 =	simm.s32 $0x0;
	s7 =	sand.u32 $0x1, s4;
	s4 =	simm.s32 $0x0;
	v3 =	vsel vm3, $0x3180, v3;
	v4 =	vsel vm3, $0x5180, v4;
	v5 =	vsel vm3, $0x7180, v5  }
0x18: {  	s8 =	sshll.u32 s3, $0xA;
	s9 =	sshll.u32 s7, $0x9;
	[smem:$0x7FF] =	sst s4;
	v1 =	vsel vm2, $0x1200, v2;
	v3 =	vsel vm2, $0x3200, v3;
	v6 =	vsel vm2, $0x5200, v4  }
0x19: {  	s7 =	ssub.s32 $0x2, s7;
	s8 =	sor.u32 s9, s8;
	_ =	strace $0x80000047;
	v5 =	vsel vm2, $0x7200, v5;
	v1 =	vsel vm1, $0x1280, v1;
	v2 =	vor.u32 $0x800, v0  }
0x1a: {  	s31 =	sshrl.u32 s7, $0x1;
	s9 =	simm.s32 $0x7A1400;
	s10 =	sshrl.u32 s8, $0x3;
	v3 =	vsel vm1, $0x3280, v3;
	v4 =	vor.u32 $0x1000, v0;
	v6 =	vsel vm1, $0x5280, v6  }
0x1b: {  	s7 =	ssub.s32 s7, s31;
	s6 =	sadd.s32 s6, s8;
	s8 =	simm.s32 $0x9;
	v7 =	vsel vm1, $0x7280, v5;
	v1 =	vsel vm0, $0x1300, v1;
	v3 =	vsel vm0, $0x3300, v3  }
0x1c: {  	s5 =	sadd.s32 s5, s10;
	s7 =	smax.u32 s7, $0x1;
	s10 =	simm.s32 $0x400;
	v5 =	vsel vm0, $0x5300, v6;
	v6 =	vor.u32 $0x1800, v0;
	v7 =	vsel vm0, $0x7300, v7  }
.LBB2_1:
0x1d: {  	[tilespmem:s4], [sflag:$0x9] =	stream.linear.gather [hbm4b:s5+s4], $0x200, $0x38;
	[tilespmem:$0x18280] =	vst v63  }
0x1e: {  	_ =	swait.ge [sflag:s8], $0x200  }
0x1f: {  	[sflag:s8] =	ssyncset.done $0x0  }
0x20: {  	s16 =	simm.s32 $0xFFFFFFF9;
	s17 =	simm.s32 $0xFFFFFFF9;
	[sflag:s8] =	ssyncadd.s32 $0xFFFFFE00  }
.LBB2_2:
0x21: {  	v8 =	vld [tilespmem:s16+$0x7];
	_ =	sdelay $0x4  }
0x22: {  	(v2sf) =	vpush v8, $0x0;
	_ =	sdelay $0xd  }
0x23: {  	s18 =	sadd.s32 $0x7, s17  }
0x24: {  	s19 =	sand.u32 $0x7, s18;
	s20 =	spop (v2sf)  }
0x25: {  	s21 =	sshll.u32 s19, $0xD;
	s20 =	sand.u32 $0xFFFFF80, s20  }
0x26: {  	s19 =	sadd.s32 $0x1, s19;
	s22 =	sor.u32 $0x280, s21;
	s23 =	sadd.s32 s0, s20  }
0x27: {  	[tilespmem:s22], [sflag:s19] =	stream.strided.gather [hbm4b:s23+s10], $0x1000, s9, s10, $0x38;
	[tilespmem:$0x18280] =	vst v63  }
0x28: {  	p0 =	slt.u32 s18, $0x7;
	s21 =	sor.u32 $0x1280, s21;
	s20 =	sadd.s32 s1, s20  }
0x29: {  	[tilespmem:s21], [sflag:s19] =	stream.strided.gather [hbm4b:s20+s10], $0x1000, s9, s10, $0x38;
	[tilespmem:$0x18280] =	vst v63  }
0x2a: {  	v8 =	vld @!p0 [tilespmem:s16+$0x0];
	_ =	sdelay $0x4  }
0x2b: {  	(v2sf) =	vpush @!p0 v8, $0x0;
	_ =	sdelay $0xe  }
0x2c: {  	s18 =	sand.u32 @!p0 $0x7, s17;
	s19 =	spop @!p0 (v2sf)  }
0x2d: {  	s20 =	sadd.s32 @!p0 $0x1, s18;
	s18 =	sshll.u32 @!p0 s18, $0xD;
	s19 =	sand.u32 @!p0 $0x7F, s19  }
0x2e: {  	_ =	swait.ge @!p0 [sflag:s20], $0x1000;
	s18 =	sor.u32 @!p0 s18, s19  }
0x2f: {  	[sflag:s20] =	ssyncset.done @!p0 $0x0;
	v8 =	vor.u32 @!p0 s18, v0  }
0x30: {  	v9 =	vmov @!p0 s17;
	[sflag:s20] =	ssyncadd.s32 @!p0 $0xFFFFF000  }
0x31: {  	v10 =	vshll.u32 @!p0 v9, $0x3;
	_ =	swait.ge @!p0 [sflag:s20], $0x1000  }
0x32: {  	v9 =	vand.u32 @!p0 $0x7F, v9;
	v10 =	vand.u32 @!p0 $0xFFFFFC00, v10;
	[sflag:s20] =	ssyncset.done @!p0 $0x0  }
0x33: {  	v9 =	vor.u32 @!p0 v9, v10;
	[sflag:s20] =	ssyncadd.s32 @!p0 $0xFFFFF000  }
0x34: {  	v10 =	vadd.s32 @!p0 v1, v9;
	v8 =	vld.idx.msk @!p0 [tilespmem:v8+s11+$0x0], $0xffff  }
0x35: {  	v11 =	vor.u32 @!p0 s18, v2;
	_ =	sdelay $0x3  }
0x36: {  	[tilespmem:v10+s12+$0x0] =	vst.idx.msk @!p0 $0xffff, v8  }
0x37: {  	v10 =	vadd.s32 @!p0 v3, v9;
	v8 =	vld.idx.msk @!p0 [tilespmem:v11+s11+$0x0], $0xffff  }
0x38: {  	v11 =	vor.u32 @!p0 s18, v4;
	_ =	sdelay $0x3  }
0x39: {  	[tilespmem:v10+s12+$0x0] =	vst.idx.msk @!p0 $0xffff, v8  }
0x3a: {  	v10 =	vadd.s32 @!p0 v5, v9;
	v8 =	vld.idx.msk @!p0 [tilespmem:v11+s11+$0x0], $0xffff  }
0x3b: {  	v11 =	vor.u32 @!p0 s18, v6;
	_ =	sdelay $0x3  }
0x3c: {  	[tilespmem:v10+s12+$0x0] =	vst.idx.msk @!p0 $0xffff, v8  }
0x3d: {  	v9 =	vadd.s32 @!p0 v7, v9;
	v8 =	vld.idx.msk @!p0 [tilespmem:v11+s11+$0x0], $0xffff;
	_ =	sdelay $0x3  }
0x3e: {  	s17 =	sadd.s32 $0x1, s17  }
0x3f: {  	[tilespmem:v9+s12+$0x0] =	vst.idx.msk @!p0 $0xffff, v8;
	p0 =	sne.s32 s17, $0x1F9  }
.Ltmp0:
0x40: {  	_ = 	snop;
	(pc) =	sbr.rel @p0 .LBB2_2-.Ltmp0, $2  }
0x41: {  	_ =	sdelay $0x2  }
0x42: {  	s16 =	sadd.s32 $0x1, s16  }
0x43: {  	s16 =	simm.s32 $0x1F9  }
0x44: {  	v8 =	vld [tilespmem:s16+$0x0];
	_ =	sdelay $0x2  }
0x45: {  	s17 =	simm.s32 $0x2  }
0x46: {  	_ =	swait.ge [sflag:s17], $0x1000  }
0x47: {  	(v2sf) =	vpush v8, $0x0;
	_ =	sdelay $0xe  }
0x48: {  	s18 =	spop (v2sf)  }
0x49: {  	s19 =	simm.s32 $0x3F2000;
	s18 =	sand.u32 $0x7F, s18  }
0x4a: {  	s18 =	sor.u32 s18, s19  }
0x4b: {  	s18 =	sadd.s32 $0xFFC10000, s18  }
0x4c: {  	[sflag:s17] =	ssyncset.done $0x0;
	v8 =	vor.u32 s18, v0  }
0x4d: {  	v9 =	vmov s16;
	[sflag:s17] =	ssyncadd.s32 $0xFFFFF000  }
0x4e: {  	v10 =	vshll.u32 v9, $0x3;
	_ =	swait.ge [sflag:s17], $0x1000  }
0x4f: {  	v9 =	vand.u32 $0x7F, v9;
	v10 =	vand.u32 $0xC00, v10;
	[sflag:s17] =	ssyncset.done $0x0  }
0x50: {  	v9 =	vor.u32 v9, v10;
	[sflag:s17] =	ssyncadd.s32 $0xFFFFF000  }
0x51: {  	v10 =	vor.u32 v1, v9;
	v8 =	vld.idx.msk [tilespmem:v8+s11+$0x0], $0xffff  }
0x52: {  	v11 =	vor.u32 s18, v2;
	_ =	sdelay $0x3  }
0x53: {  	[tilespmem:v10+s12+$0x0] =	vst.idx.msk $0xffff, v8  }
0x54: {  	v10 =	vor.u32 v3, v9;
	v8 =	vld.idx.msk [tilespmem:v11+s11+$0x0], $0xffff  }
0x55: {  	v11 =	vor.u32 s18, v4;
	_ =	sdelay $0x3  }
0x56: {  	[tilespmem:v10+s12+$0x0] =	vst.idx.msk $0xffff, v8  }
0x57: {  	v10 =	vor.u32 v5, v9;
	v8 =	vld.idx.msk [tilespmem:v11+s11+$0x0], $0xffff  }
0x58: {  	v11 =	vor.u32 s18, v6;
	_ =	sdelay $0x3  }
0x59: {  	[tilespmem:v10+s12+$0x0] =	vst.idx.msk $0xffff, v8  }
0x5a: {  	v9 =	vor.u32 v7, v9;
	s18 =	simm.s32 $0x1FA;
	v8 =	vld.idx.msk [tilespmem:v11+s11+$0x0], $0xffff  }
.LBB2_4:
0x5b: {  	_ =	sdelay $0x3  }
0x5c: {  	p0 =	sne.s32 s18, $0x1FF;
	s16 =	sadd.s32 $0x1, s16;
	s17 =	sadd.s32 $0x1, s17;
	[tilespmem:v9+s12+$0x0] =	vst.idx.msk $0xffff, v8  }
0x5d: {  	s19 =	smov.u32 s18;
	s18 =	sadd.s32 $0x1, s18;
	v8 =	vld [tilespmem:s16+$0x0]  }
0x5e: {  	_ =	swait.ge [sflag:s17], $0x1000  }
0x5f: {  	[sflag:s17] =	ssyncset.done $0x0  }
0x60: {  	[sflag:s17] =	ssyncadd.s32 $0xFFFFF000;
	_ =	sdelay $0x1  }
0x61: {  	(v2sf) =	vpush v8, $0x0;
	_ =	sdelay $0xe  }
0x62: {  	s20 =	spop (v2sf)  }
0x63: {  	s21 =	sshll.u32 s19, $0xD;
	s20 =	sand.u32 $0x7F, s20  }
0x64: {  	s20 =	sor.u32 s20, s21  }
0x65: {  	s20 =	sadd.s32 $0xFFC10000, s20  }
0x66: {  	v8 =	vor.u32 s20, v0;
	_ =	sdelay $0x1  }
0x67: {  	v9 =	vmov s19;
	_ =	swait.ge [sflag:s17], $0x1000  }
0x68: {  	v10 =	vshll.u32 v9, $0x3;
	[sflag:s17] =	ssyncset.done $0x0  }
0x69: {  	v9 =	vand.u32 $0x7F, v9;
	v10 =	vand.u32 $0xC00, v10;
	[sflag:s17] =	ssyncadd.s32 $0xFFFFF000  }
0x6a: {  	v9 =	vor.u32 v9, v10;
	v8 =	vld.idx.msk [tilespmem:v8+s11+$0x0], $0xffff  }
0x6b: {  	v10 =	vor.u32 v1, v9  }
0x6c: {  	v11 =	vor.u32 s20, v2;
	_ =	sdelay $0x3  }
0x6d: {  	[tilespmem:v10+s12+$0x0] =	vst.idx.msk $0xffff, v8  }
0x6e: {  	v8 =	vld.idx.msk [tilespmem:v11+s11+$0x0], $0xffff  }
0x6f: {  	v10 =	vor.u32 v3, v9  }
0x70: {  	v11 =	vor.u32 s20, v4;
	_ =	sdelay $0x3  }
0x71: {  	[tilespmem:v10+s12+$0x0] =	vst.idx.msk $0xffff, v8  }
0x72: {  	v8 =	vld.idx.msk [tilespmem:v11+s11+$0x0], $0xffff  }
0x73: {  	v10 =	vor.u32 v5, v9  }
0x74: {  	v11 =	vor.u32 s20, v6;
	_ =	sdelay $0x1  }
.Ltmp1:
0x75: {  	(pc) =	sbr.rel @p0 .LBB2_4-.Ltmp1, $4  }
0x76: {  	_ = 	snop  }
0x77: {  	[tilespmem:v10+s12+$0x0] =	vst.idx.msk $0xffff, v8  }
0x78: {  	v8 =	vld.idx.msk [tilespmem:v11+s11+$0x0], $0xffff  }
0x79: {  	v9 =	vor.u32 v7, v9  }
0x7a: {  	_ =	sdelay $0x1  }
0x7b: {  	s15 =	sadd.s32 $0x1, s15  }
0x7c: {  	p0 =	sne.s32 s15, s7  }
.Ltmp2:
0x7d: {  	[tilespmem:v9+s12+$0x0] =	vst.idx.msk $0xffff, v8;
	(pc) =	sbr.rel @p0 .LBB2_1-.Ltmp2, $4  }
0x7e: {  	[hbm4b:s6+s13] =	stream.strided.scatter [tilespmem:s12], [sflag:$0x9], $0x8000, s14, s13, $0x38;
	[tilespmem:$0x18280] =	vst v63  }
0x7f: {  	_ =	swait.ge [sflag:s8], $0x8000  }
0x80: {  	[sflag:s8] =	ssyncset.done $0x0  }
0x81: {  	[sflag:s8] =	ssyncadd.s32 $0xFFFF8000  }
0x82: {  	_ =	sfence.sel $0x180000  }
0x83: {  	[bflag:$0x0] =	sbarrier.arrive $0xFFFF  }
0x84: {  	p0 =	sne.s32 s3, $0x0;
	_ =	strace $0x90000047  }
0x85: {  	s0 =	sadd.s32 @!p0 $0x100000, s2;
	[bflag:$0x2] =	sbarrier.arrive $0xFFFF  }
0x86: {  	[sflag:s0] =	ssyncadd.tile.s32 @!p0 $0x1;
	_ =	shalt  }
.Lfunc_end2:
_tile_overlayer_lowered:
.L_overlay_start_2:
0x87: {  	(tag) =	ssettag $0x2  }
0x88: {  	s0 =	rddreg [dreg:$0x0];
	s2 =	stileid.u32  }
0x89: {  	s1 =	rddreg [dreg:$0x1];
	p0 =	sne.s32 s2, $0x0  }
0x8a: {  	s3 =	rddreg [dreg:$0x2];
	[bflag:$0x3] =	sbarrier.arrive $0xFFFF;
	s2 =	simm.s32 @!p0 $0x1C09  }
0x8b: {  	[timem:s3], [sflag:s2] =	dma.local @!p0 [hbm:s0], s1  }
0x8c: {  	s0 =	simm.s32 @!p0 $0x9  }
0x8d: {  	_ =	swait.ge @!p0 [sflag:s0], s1  }
0x8e: {  	s1 =	ssub.s32 @!p0 $0x0, s1;
	[sflag:s0] =	ssyncset.done @!p0 $0x0  }
0x8f: {  	[sflag:s0] =	ssyncadd.s32 @!p0 s1  }
0x90: {  	[bflag:$0x3] =	sbarrier.arrive $0xFFFF  }
0x91: {  	_ =	shalt  }

</sc_bundles>
